<compile_context>
chip_gen: v7x
topology: tpu7x:2x2x1
jax: 0.10.2.dev20260603
libtpu: 0.0.44.dev20260713+nightly
codegen_flags: <defaults>
</compile_context>

<pallas_src>
import functools

import jax
import jax.numpy as jnp
from jax import lax
from jax.experimental import pallas as pl
from jax.experimental.pallas import tpu as pltpu
from jax.experimental.pallas import tpu_sc as plsc

N = 16384
B = 64
M = B * N
SCALE = float(N - 1)
SIGMA_BOOST = 2.0
EPSILON = 1e-7

L = 16
UNROLL = 8
TCW = 8
_E = TCW * N


def _sample(pm, ps, eps):
    m1 = jax.nn.sigmoid(pm) * SCALE
    s1 = jax.nn.softplus(ps + SIGMA_BOOST) + EPSILON
    m = jnp.concatenate([m1] * TCW, axis=1)
    s = jnp.concatenate([s1] * TCW, axis=1)
    return m, s, m + s * eps


def _tc_idx_body(pm_ref, ps_ref, eps_ref, idx_ref):
    _, _, samp = _sample(pm_ref[...], ps_ref[...], eps_ref[...])
    idx_ref[...] = jnp.clip(jnp.round(samp), 0.0, SCALE).astype(jnp.int32)


def _tc_out_body(pm_ref, ps_ref, eps_ref, means_ref, sig_ref, samp_ref):
    m, s, samp = _sample(pm_ref[...], ps_ref[...], eps_ref[...])
    means_ref[...] = m
    sig_ref[...] = jnp.broadcast_to(s, samp.shape)
    samp_ref[...] = samp


_in_specs = [
    pl.BlockSpec((2, N), lambda i: (0, 0)),
    pl.BlockSpec((1, N), lambda i: (0, 0)),
    pl.BlockSpec((2, _E), lambda i: (0, i)),
]

_tc_idx_call = pl.pallas_call(
    _tc_idx_body,
    grid=(B // TCW,),
    in_specs=_in_specs,
    out_specs=[pl.BlockSpec((2, _E), lambda i: (0, i))],
    out_shape=[jax.ShapeDtypeStruct((2, M), jnp.int32)],
)

_tc_out_call = pl.pallas_call(
    _tc_out_body,
    grid=(B // TCW,),
    in_specs=_in_specs,
    out_specs=[pl.BlockSpec((2, _E), lambda i: (0, i))] * 3,
    out_shape=[jax.ShapeDtypeStruct((2, M), jnp.float32)] * 3,
)


_NC = 2
_NS = 16
_ROWS_PER_W = B // (_NC * _NS)


@functools.cache
def _get_sc_contract():
    mesh = plsc.VectorSubcoreMesh(
        core_axis_name="c", subcore_axis_name="s",
        num_cores=_NC, num_subcores=_NS,
    )

    @functools.partial(
        pl.kernel,
        out_type=jax.ShapeDtypeStruct((B, N), jnp.float32),
        mesh=mesh,
        scratch_types=[
            pltpu.VMEM((N,), jnp.float32),
            pltpu.VMEM((N,), jnp.float32),
            pltpu.VMEM((2, N), jnp.int32),
            pltpu.VMEM((N,), jnp.float32),
            pltpu.VMEM((N,), jnp.float32),
            pltpu.SemaphoreType.DMA,
            pltpu.SemaphoreType.DMA,
            pltpu.SemaphoreType.DMA,
            pltpu.SemaphoreType.DMA,
            pltpu.SemaphoreType.DMA,
        ],
        compiler_params=pltpu.CompilerParams(needs_layout_passes=False),
    )
    def _sc_contract(x_hbm, idx_hbm, pv_hbm, y_hbm, xv0, xv1, iv, yv, pv,
                     sempv, semx0, semx1, semi, semy):
        wid = lax.axis_index("s") * _NC + lax.axis_index("c")
        b0 = wid * _ROWS_PER_W
        zero = jnp.zeros((L,), jnp.float32)

        cp_pv = pltpu.async_copy(pv_hbm, pv, sempv)
        cp_x0 = pltpu.async_copy(x_hbm.at[b0], xv0, semx0)
        cp_i0 = pltpu.async_copy(idx_hbm.at[:, pl.ds(b0 * N, N)], iv, semi)
        cp_x1 = pltpu.async_copy(x_hbm.at[b0 + 1], xv1, semx1)

        @plsc.parallel_loop(0, N // L, unroll=UNROLL)
        def _z0(i):
            yv[pl.ds(i * L, L)] = zero

        cp_pv.wait()
        cp_x0.wait()
        cp_i0.wait()

        @plsc.parallel_loop(0, N // L, unroll=UNROLL)
        def _b1(k):
            base = k * L
            r = iv[0, pl.ds(base, L)]
            c = iv[1, pl.ds(base, L)]
            g = plsc.load_gather(xv0, [c])
            v = pv[pl.ds(base, L)]
            plsc.addupdate_scatter(yv, [r], g * v)

        cp_y0 = pltpu.async_copy(yv, y_hbm.at[b0], semy)
        cp_i1 = pltpu.async_copy(idx_hbm.at[:, pl.ds((b0 + 1) * N, N)], iv, semi)
        cp_x1.wait()

        y2 = xv0

        @plsc.parallel_loop(0, N // L, unroll=UNROLL)
        def _z1(i):
            y2[pl.ds(i * L, L)] = zero

        cp_i1.wait()

        @plsc.parallel_loop(0, N // L, unroll=UNROLL)
        def _b2(k):
            base = k * L
            r = iv[0, pl.ds(base, L)]
            c = iv[1, pl.ds(base, L)]
            g = plsc.load_gather(xv1, [c])
            v = pv[pl.ds(base, L)]
            plsc.addupdate_scatter(y2, [r], g * v)

        cp_y0.wait()
        pltpu.sync_copy(y2, y_hbm.at[b0 + 1])

    return _sc_contract


def kernel(x, eps, pmeans, psigmas, pvalues):
    eps_pl = eps.reshape(M, 2).T
    pm_pl = pmeans.T
    ps2 = psigmas.reshape(1, N)
    (idx_pl,) = _tc_idx_call(pm_pl, ps2, eps_pl)
    y = _get_sc_contract()(x, idx_pl, pvalues)
    means_pl, sig_pl, samp_pl = _tc_out_call(pm_pl, ps2, eps_pl)
    return (
        y,
        means_pl.T.reshape(B, N, 2),
        sig_pl.T.reshape(B, N, 2),
        samp_pl.T.reshape(B, N, 2),
    )

# --- scband reference (transcript-rebuilt; emitter-appended) ---
"""Pipeline reference for scband-reinforce-layer-39213051413051 (READ-ONLY COPY).

The authoritative reference and input builder live on the scoring server;
editing this copy changes nothing except your own understanding.
"""

import jax, jax.numpy as jnp
import numpy as np

SIZE = 16384
BATCH = 64
SIGMA_BOOST = 2.0
EPSILON = 1e-7


def transform_means(means, size):
    # sigmoid-squash then scale each coordinate into [0, dim-1]
    s = jnp.array(size, dtype=jnp.float32) - 1.0
    return jax.nn.sigmoid(means) * s[None, None, :]


def transform_sigmas(sigmas, size):
    # softplus with boost, small epsilon floor, expand to rank of the tuple
    s = jax.nn.softplus(sigmas + SIGMA_BOOST) + EPSILON
    return jnp.broadcast_to(s[:, :, None], s.shape + (len(size),))


def setup_inputs(seed: int = 0) -> dict:
    key = jax.random.key(seed)
    k1, k2, k3, k4, k5 = jax.random.split(key, 5)
    return {
        "x": jax.random.normal(k1, (BATCH, SIZE), dtype=jnp.float32),
        "eps": jax.random.normal(k2, (BATCH, SIZE, 2), dtype=jnp.float32),
        "pmeans": jax.random.normal(k3, (SIZE, 2), dtype=jnp.float32),
        "psigmas": jax.random.normal(k4, (SIZE,), dtype=jnp.float32),
        "pvalues": jax.random.normal(k5, (SIZE,), dtype=jnp.float32),
    }


def reference(x, eps, pmeans, psigmas, pvalues):
    b = x.shape[0]
    n = SIZE
    size = (n, n)

    # hyper(): expand parameters over the batch and transform
    means = jnp.broadcast_to(pmeans[None, :, :], (b, n, 2))
    sigmas = jnp.broadcast_to(psigmas[None, :], (b, n))
    values = jnp.broadcast_to(pvalues[None, :], (b, n))
    means = transform_means(means, size)
    sigmas = transform_sigmas(sigmas, size)

    # Normal(means, sigmas).sample() realized with pre-drawn standard normal noise
    samples = means + sigmas * eps

    # round to discrete integer index tuples, clamp into the matrix range
    indices = jnp.round(samples).astype(jnp.int32)
    indices = jnp.clip(indices, 0, n - 1)

    # sparse.contract: batched sparse (n x n) matrix @ x vector
    rows = indices[:, :, 0]
    cols = indices[:, :, 1]
    xg = jnp.take_along_axis(x, cols, axis=1)          # gather (b, k)
    prods = values * xg
    y = jax.vmap(lambda r, p: jnp.zeros((n,), dtype=x.dtype).at[r].add(p))(rows, prods)  # scatter-add

    return y, means, sigmas, samples

if __name__ == "__main__":
    import jax
    _d = setup_inputs()
    print(jax.jit(kernel)(*tuple(_d.values())))

</pallas_src>

<mosaic_0001>
#map = affine_map<(d0, d1) -> (0, 0)>
#map1 = affine_map<(d0, d1) -> (0)>
module attributes {stable_mosaic.version = 14 : i64} {
  func.func @_sc_contract(%arg0: i32, %arg1: i32, %arg2: memref<64x16384xf32, #tpu.memory_space<hbm>>, %arg3: memref<2x1048576xi32, #tpu.memory_space<hbm>>, %arg4: memref<16384xf32, #tpu.memory_space<hbm>>, %arg5: memref<64x16384xf32, #tpu.memory_space<hbm>>, %arg6: memref<16384xf32, #tpu.memory_space<vmem>>, %arg7: memref<16384xf32, #tpu.memory_space<vmem>>, %arg8: memref<2x16384xi32, #tpu.memory_space<vmem>>, %arg9: memref<16384xf32, #tpu.memory_space<vmem>>, %arg10: memref<16384xf32, #tpu.memory_space<vmem>>, %arg11: memref<!tpu.dma_semaphore, #tpu.memory_space<semaphore_mem>>, %arg12: memref<!tpu.dma_semaphore, #tpu.memory_space<semaphore_mem>>, %arg13: memref<!tpu.dma_semaphore, #tpu.memory_space<semaphore_mem>>, %arg14: memref<!tpu.dma_semaphore, #tpu.memory_space<semaphore_mem>>, %arg15: memref<!tpu.dma_semaphore, #tpu.memory_space<semaphore_mem>>) attributes {dimension_semantics = [#tpu.dimension_semantics<core_parallel>, #tpu.dimension_semantics<subcore_parallel>], iteration_bounds = array<i64: 2, 16>, scalar_prefetch = 0 : i64, scratch_operands = 10 : i64, tpu.core_type = #tpu.core_type<sc_vector_subcore>, window_params = [{transform_indices = #map}, {transform_indices = #map}, {transform_indices = #map1}, {transform_indices = #map}]} {
    %mul3A = arith.constant 2 : i32
    %mul3A_0 = arith.muli %arg1, %mul3A : i32
    %add3A = arith.addi %mul3A_0, %arg0 : i32
    %mul3A_1 = arith.constant 2 : i32
    %mul3A_2 = arith.muli %add3A, %mul3A_1 : i32
    %broadcast_in_dim3A = arith.constant 0.000000e+00 : f32
    %broadcast_in_dim3A_3 = vector.broadcast %broadcast_in_dim3A : f32 to vector<16xf32>
    tpu.enqueue_dma source(%arg4 : memref<16384xf32, #tpu.memory_space<hbm>>) target(%arg10 : memref<16384xf32, #tpu.memory_space<vmem>>) target_semaphore(%arg11 : memref<!tpu.dma_semaphore, #tpu.memory_space<semaphore_mem>>)
    %dma_start3A = arith.constant 0 : i32
    %dma_start3A_4 = tpu.memref_slice %arg2[%mul3A_2, %dma_start3A] : memref<64x16384xf32, #tpu.memory_space<hbm>> -> memref<1x16384xf32, #tpu.memory_space<hbm>>
    %dma_start3A_5 = tpu.memref_squeeze %dma_start3A_4 : memref<1x16384xf32, #tpu.memory_space<hbm>> -> memref<16384xf32, #tpu.memory_space<hbm>>
    %dma_start3A_6 = arith.constant 0 : i32
    %dma_start3A_7 = tpu.memref_slice %arg2[%mul3A_2, %dma_start3A_6] : memref<64x16384xf32, #tpu.memory_space<hbm>> -> memref<1x16384xf32, #tpu.memory_space<hbm>>
    %dma_start3A_8 = tpu.memref_squeeze %dma_start3A_7 : memref<1x16384xf32, #tpu.memory_space<hbm>> -> memref<16384xf32, #tpu.memory_space<hbm>>
    tpu.enqueue_dma source(%dma_start3A_8 : memref<16384xf32, #tpu.memory_space<hbm>>) target(%arg6 : memref<16384xf32, #tpu.memory_space<vmem>>) target_semaphore(%arg12 : memref<!tpu.dma_semaphore, #tpu.memory_space<semaphore_mem>>)
    %mul3A_9 = arith.constant 16384 : i32
    %mul3A_10 = arith.muli %mul3A_2, %mul3A_9 : i32
    %dma_start3A_11 = arith.constant 0 : i32
    %dma_start3A_12 = tpu.memref_slice %arg3[%dma_start3A_11, %mul3A_10] : memref<2x1048576xi32, #tpu.memory_space<hbm>> -> memref<2x16384xi32, #tpu.memory_space<hbm>>
    %dma_start3A_13 = arith.constant 0 : i32
    %dma_start3A_14 = tpu.memref_slice %arg3[%dma_start3A_13, %mul3A_10] : memref<2x1048576xi32, #tpu.memory_space<hbm>> -> memref<2x16384xi32, #tpu.memory_space<hbm>>
    tpu.enqueue_dma source(%dma_start3A_14 : memref<2x16384xi32, #tpu.memory_space<hbm>>) target(%arg8 : memref<2x16384xi32, #tpu.memory_space<vmem>>) target_semaphore(%arg14 : memref<!tpu.dma_semaphore, #tpu.memory_space<semaphore_mem>>)
    %add3A_15 = arith.constant 1 : i32
    %add3A_16 = arith.addi %mul3A_2, %add3A_15 : i32
    %dma_start3A_17 = arith.constant 0 : i32
    %dma_start3A_18 = tpu.memref_slice %arg2[%add3A_16, %dma_start3A_17] : memref<64x16384xf32, #tpu.memory_space<hbm>> -> memref<1x16384xf32, #tpu.memory_space<hbm>>
    %dma_start3A_19 = tpu.memref_squeeze %dma_start3A_18 : memref<1x16384xf32, #tpu.memory_space<hbm>> -> memref<16384xf32, #tpu.memory_space<hbm>>
    %dma_start3A_20 = arith.constant 0 : i32
    %dma_start3A_21 = tpu.memref_slice %arg2[%add3A_16, %dma_start3A_20] : memref<64x16384xf32, #tpu.memory_space<hbm>> -> memref<1x16384xf32, #tpu.memory_space<hbm>>
    %dma_start3A_22 = tpu.memref_squeeze %dma_start3A_21 : memref<1x16384xf32, #tpu.memory_space<hbm>> -> memref<16384xf32, #tpu.memory_space<hbm>>
    tpu.enqueue_dma source(%dma_start3A_22 : memref<16384xf32, #tpu.memory_space<hbm>>) target(%arg7 : memref<16384xf32, #tpu.memory_space<vmem>>) target_semaphore(%arg13 : memref<!tpu.dma_semaphore, #tpu.memory_space<semaphore_mem>>)
    %parallel_loop3A = arith.constant 0 : i32
    %parallel_loop3A_23 = arith.constant 1024 : i32
    %parallel_loop3A_24 = arith.constant 1 : i32
    scf.for %parallel_loop3A_75 = %parallel_loop3A to %parallel_loop3A_23 step %parallel_loop3A_24  : i32 {
      %parallel_loop3A_76 = arith.constant 16 : i32
      %parallel_loop3A_77 = arith.muli %parallel_loop3A_75, %parallel_loop3A_76 : i32
      %parallel_loop3A_78 = arith.index_cast %parallel_loop3A_77 : i32 to index
      %parallel_loop3A_79 = tpu.vector_load %arg9[%parallel_loop3A_78] {strides = array<i32>} : memref<16384xf32, #tpu.memory_space<vmem>>, vector<16xf32>,
      tpu.vector_store %arg9[%parallel_loop3A_78], %broadcast_in_dim3A_3 {strides = array<i32>} : memref<16384xf32, #tpu.memory_space<vmem>>, vector<16xf32>,
    } {sc.loop_unroll_factor = 8 : i64, sc.parallel_access}
    tpu.wait_dma2 semaphore(%arg11 : memref<!tpu.dma_semaphore, #tpu.memory_space<semaphore_mem>>) src(%arg4 : memref<16384xf32, #tpu.memory_space<hbm>>) dst(%arg10 : memref<16384xf32, #tpu.memory_space<vmem>>)
    %dma_wait3A = arith.constant 0 : i32
    %dma_wait3A_25 = tpu.memref_slice %arg2[%mul3A_2, %dma_wait3A] : memref<64x16384xf32, #tpu.memory_space<hbm>> -> memref<1x16384xf32, #tpu.memory_space<hbm>>
    %dma_wait3A_26 = tpu.memref_squeeze %dma_wait3A_25 : memref<1x16384xf32, #tpu.memory_space<hbm>> -> memref<16384xf32, #tpu.memory_space<hbm>>
    %dma_wait3A_27 = arith.constant 0 : i32
    %dma_wait3A_28 = tpu.memref_slice %arg2[%mul3A_2, %dma_wait3A_27] : memref<64x16384xf32, #tpu.memory_space<hbm>> -> memref<1x16384xf32, #tpu.memory_space<hbm>>
    %dma_wait3A_29 = tpu.memref_squeeze %dma_wait3A_28 : memref<1x16384xf32, #tpu.memory_space<hbm>> -> memref<16384xf32, #tpu.memory_space<hbm>>
    tpu.wait_dma2 semaphore(%arg12 : memref<!tpu.dma_semaphore, #tpu.memory_space<semaphore_mem>>) src(%dma_wait3A_29 : memref<16384xf32, #tpu.memory_space<hbm>>) dst(%arg6 : memref<16384xf32, #tpu.memory_space<vmem>>)
    %dma_wait3A_30 = arith.constant 0 : i32
    %dma_wait3A_31 = tpu.memref_slice %arg3[%dma_wait3A_30, %mul3A_10] : memref<2x1048576xi32, #tpu.memory_space<hbm>> -> memref<2x16384xi32, #tpu.memory_space<hbm>>
    %dma_wait3A_32 = arith.constant 0 : i32
    %dma_wait3A_33 = tpu.memref_slice %arg3[%dma_wait3A_32, %mul3A_10] : memref<2x1048576xi32, #tpu.memory_space<hbm>> -> memref<2x16384xi32, #tpu.memory_space<hbm>>
    tpu.wait_dma2 semaphore(%arg14 : memref<!tpu.dma_semaphore, #tpu.memory_space<semaphore_mem>>) src(%dma_wait3A_33 : memref<2x16384xi32, #tpu.memory_space<hbm>>) dst(%arg8 : memref<2x16384xi32, #tpu.memory_space<vmem>>)
    %parallel_loop3A_34 = arith.constant 0 : i32
    %parallel_loop3A_35 = arith.constant 1024 : i32
    %parallel_loop3A_36 = arith.constant 1 : i32
    scf.for %parallel_loop3A_75 = %parallel_loop3A_34 to %parallel_loop3A_35 step %parallel_loop3A_36  : i32 {
      %parallel_loop3A_76 = arith.constant 16 : i32
      %parallel_loop3A_77 = arith.muli %parallel_loop3A_75, %parallel_loop3A_76 : i32
      %parallel_loop3A_78 = arith.constant 0 : i32
      %parallel_loop3A_79 = arith.index_cast %parallel_loop3A_78 : i32 to index
      %parallel_loop3A_80 = arith.index_cast %parallel_loop3A_77 : i32 to index
      %parallel_loop3A_81 = tpu.vector_load %arg8[%parallel_loop3A_79, %parallel_loop3A_80] {strides = array<i32>} : memref<2x16384xi32, #tpu.memory_space<vmem>>, vector<16xi32>,
      %parallel_loop3A_82 = arith.constant 1 : i32
      %parallel_loop3A_83 = arith.index_cast %parallel_loop3A_82 : i32 to index
      %parallel_loop3A_84 = arith.index_cast %parallel_loop3A_77 : i32 to index
      %parallel_loop3A_85 = tpu.vector_load %arg8[%parallel_loop3A_83, %parallel_loop3A_84] {strides = array<i32>} : memref<2x16384xi32, #tpu.memory_space<vmem>>, vector<16xi32>,
      %parallel_loop3A_86 = tpu.vector_load_idx %arg6[%parallel_loop3A_85] : memref<16384xf32, #tpu.memory_space<vmem>>[vector<16xi32>], vector<16xf32>,
      %parallel_loop3A_87 = arith.index_cast %parallel_loop3A_77 : i32 to index
      %parallel_loop3A_88 = tpu.vector_load %arg10[%parallel_loop3A_87] {strides = array<i32>} : memref<16384xf32, #tpu.memory_space<vmem>>, vector<16xf32>,
      %parallel_loop3A_89 = arith.mulf %parallel_loop3A_86, %parallel_loop3A_88 : vector<16xf32>
      tpu.vector_store_idx %arg9[%parallel_loop3A_81], %parallel_loop3A_89 {add = true} : memref<16384xf32, #tpu.memory_space<vmem>>[vector<16xi32>], vector<16xf32>,
    } {sc.loop_unroll_factor = 8 : i64, sc.parallel_access}
    %dma_start3A_37 = arith.constant 0 : i32
    %dma_start3A_38 = tpu.memref_slice %arg5[%mul3A_2, %dma_start3A_37] : memref<64x16384xf32, #tpu.memory_space<hbm>> -> memref<1x16384xf32, #tpu.memory_space<hbm>>
    %dma_start3A_39 = tpu.memref_squeeze %dma_start3A_38 : memref<1x16384xf32, #tpu.memory_space<hbm>> -> memref<16384xf32, #tpu.memory_space<hbm>>
    %dma_start3A_40 = arith.constant 0 : i32
    %dma_start3A_41 = tpu.memref_slice %arg5[%mul3A_2, %dma_start3A_40] : memref<64x16384xf32, #tpu.memory_space<hbm>> -> memref<1x16384xf32, #tpu.memory_space<hbm>>
    %dma_start3A_42 = tpu.memref_squeeze %dma_start3A_41 : memref<1x16384xf32, #tpu.memory_space<hbm>> -> memref<16384xf32, #tpu.memory_space<hbm>>
    tpu.enqueue_dma source(%arg9 : memref<16384xf32, #tpu.memory_space<vmem>>) target(%dma_start3A_42 : memref<16384xf32, #tpu.memory_space<hbm>>) target_semaphore(%arg15 : memref<!tpu.dma_semaphore, #tpu.memory_space<semaphore_mem>>)
    %add3A_43 = arith.constant 1 : i32
    %add3A_44 = arith.addi %mul3A_2, %add3A_43 : i32
    %mul3A_45 = arith.constant 16384 : i32
    %mul3A_46 = arith.muli %add3A_44, %mul3A_45 : i32
    %dma_start3A_47 = arith.constant 0 : i32
    %dma_start3A_48 = tpu.memref_slice %arg3[%dma_start3A_47, %mul3A_46] : memref<2x1048576xi32, #tpu.memory_space<hbm>> -> memref<2x16384xi32, #tpu.memory_space<hbm>>
    %dma_start3A_49 = arith.constant 0 : i32
    %dma_start3A_50 = tpu.memref_slice %arg3[%dma_start3A_49, %mul3A_46] : memref<2x1048576xi32, #tpu.memory_space<hbm>> -> memref<2x16384xi32, #tpu.memory_space<hbm>>
    tpu.enqueue_dma source(%dma_start3A_50 : memref<2x16384xi32, #tpu.memory_space<hbm>>) target(%arg8 : memref<2x16384xi32, #tpu.memory_space<vmem>>) target_semaphore(%arg14 : memref<!tpu.dma_semaphore, #tpu.memory_space<semaphore_mem>>)
    %dma_wait3A_51 = arith.constant 0 : i32
    %dma_wait3A_52 = tpu.memref_slice %arg2[%add3A_16, %dma_wait3A_51] : memref<64x16384xf32, #tpu.memory_space<hbm>> -> memref<1x16384xf32, #tpu.memory_space<hbm>>
    %dma_wait3A_53 = tpu.memref_squeeze %dma_wait3A_52 : memref<1x16384xf32, #tpu.memory_space<hbm>> -> memref<16384xf32, #tpu.memory_space<hbm>>
    %dma_wait3A_54 = arith.constant 0 : i32
    %dma_wait3A_55 = tpu.memref_slice %arg2[%add3A_16, %dma_wait3A_54] : memref<64x16384xf32, #tpu.memory_space<hbm>> -> memref<1x16384xf32, #tpu.memory_space<hbm>>
    %dma_wait3A_56 = tpu.memref_squeeze %dma_wait3A_55 : memref<1x16384xf32, #tpu.memory_space<hbm>> -> memref<16384xf32, #tpu.memory_space<hbm>>
    tpu.wait_dma2 semaphore(%arg13 : memref<!tpu.dma_semaphore, #tpu.memory_space<semaphore_mem>>) src(%dma_wait3A_56 : memref<16384xf32, #tpu.memory_space<hbm>>) dst(%arg7 : memref<16384xf32, #tpu.memory_space<vmem>>)
    %parallel_loop3A_57 = arith.constant 0 : i32
    %parallel_loop3A_58 = arith.constant 1024 : i32
    %parallel_loop3A_59 = arith.constant 1 : i32
    scf.for %parallel_loop3A_75 = %parallel_loop3A_57 to %parallel_loop3A_58 step %parallel_loop3A_59  : i32 {
      %parallel_loop3A_76 = arith.constant 16 : i32
      %parallel_loop3A_77 = arith.muli %parallel_loop3A_75, %parallel_loop3A_76 : i32
      %parallel_loop3A_78 = arith.index_cast %parallel_loop3A_77 : i32 to index
      %parallel_loop3A_79 = tpu.vector_load %arg6[%parallel_loop3A_78] {strides = array<i32>} : memref<16384xf32, #tpu.memory_space<vmem>>, vector<16xf32>,
      tpu.vector_store %arg6[%parallel_loop3A_78], %broadcast_in_dim3A_3 {strides = array<i32>} : memref<16384xf32, #tpu.memory_space<vmem>>, vector<16xf32>,
    } {sc.loop_unroll_factor = 8 : i64, sc.parallel_access}
    %dma_wait3A_60 = arith.constant 0 : i32
    %dma_wait3A_61 = tpu.memref_slice %arg3[%dma_wait3A_60, %mul3A_46] : memref<2x1048576xi32, #tpu.memory_space<hbm>> -> memref<2x16384xi32, #tpu.memory_space<hbm>>
    %dma_wait3A_62 = arith.constant 0 : i32
    %dma_wait3A_63 = tpu.memref_slice %arg3[%dma_wait3A_62, %mul3A_46] : memref<2x1048576xi32, #tpu.memory_space<hbm>> -> memref<2x16384xi32, #tpu.memory_space<hbm>>
    tpu.wait_dma2 semaphore(%arg14 : memref<!tpu.dma_semaphore, #tpu.memory_space<semaphore_mem>>) src(%dma_wait3A_63 : memref<2x16384xi32, #tpu.memory_space<hbm>>) dst(%arg8 : memref<2x16384xi32, #tpu.memory_space<vmem>>)
    %parallel_loop3A_64 = arith.constant 0 : i32
    %parallel_loop3A_65 = arith.constant 1024 : i32
    %parallel_loop3A_66 = arith.constant 1 : i32
    scf.for %parallel_loop3A_75 = %parallel_loop3A_64 to %parallel_loop3A_65 step %parallel_loop3A_66  : i32 {
      %parallel_loop3A_76 = arith.constant 16 : i32
      %parallel_loop3A_77 = arith.muli %parallel_loop3A_75, %parallel_loop3A_76 : i32
      %parallel_loop3A_78 = arith.constant 0 : i32
      %parallel_loop3A_79 = arith.index_cast %parallel_loop3A_78 : i32 to index
      %parallel_loop3A_80 = arith.index_cast %parallel_loop3A_77 : i32 to index
      %parallel_loop3A_81 = tpu.vector_load %arg8[%parallel_loop3A_79, %parallel_loop3A_80] {strides = array<i32>} : memref<2x16384xi32, #tpu.memory_space<vmem>>, vector<16xi32>,
      %parallel_loop3A_82 = arith.constant 1 : i32
      %parallel_loop3A_83 = arith.index_cast %parallel_loop3A_82 : i32 to index
      %parallel_loop3A_84 = arith.index_cast %parallel_loop3A_77 : i32 to index
      %parallel_loop3A_85 = tpu.vector_load %arg8[%parallel_loop3A_83, %parallel_loop3A_84] {strides = array<i32>} : memref<2x16384xi32, #tpu.memory_space<vmem>>, vector<16xi32>,
      %parallel_loop3A_86 = tpu.vector_load_idx %arg7[%parallel_loop3A_85] : memref<16384xf32, #tpu.memory_space<vmem>>[vector<16xi32>], vector<16xf32>,
      %parallel_loop3A_87 = arith.index_cast %parallel_loop3A_77 : i32 to index
      %parallel_loop3A_88 = tpu.vector_load %arg10[%parallel_loop3A_87] {strides = array<i32>} : memref<16384xf32, #tpu.memory_space<vmem>>, vector<16xf32>,
      %parallel_loop3A_89 = arith.mulf %parallel_loop3A_86, %parallel_loop3A_88 : vector<16xf32>
      tpu.vector_store_idx %arg6[%parallel_loop3A_81], %parallel_loop3A_89 {add = true} : memref<16384xf32, #tpu.memory_space<vmem>>[vector<16xi32>], vector<16xf32>,
    } {sc.loop_unroll_factor = 8 : i64, sc.parallel_access}
    %dma_wait3A_67 = arith.constant 0 : i32
    %dma_wait3A_68 = tpu.memref_slice %arg5[%mul3A_2, %dma_wait3A_67] : memref<64x16384xf32, #tpu.memory_space<hbm>> -> memref<1x16384xf32, #tpu.memory_space<hbm>>
    %dma_wait3A_69 = tpu.memref_squeeze %dma_wait3A_68 : memref<1x16384xf32, #tpu.memory_space<hbm>> -> memref<16384xf32, #tpu.memory_space<hbm>>
    %dma_wait3A_70 = arith.constant 0 : i32
    %dma_wait3A_71 = tpu.memref_slice %arg5[%mul3A_2, %dma_wait3A_70] : memref<64x16384xf32, #tpu.memory_space<hbm>> -> memref<1x16384xf32, #tpu.memory_space<hbm>>
    %dma_wait3A_72 = tpu.memref_squeeze %dma_wait3A_71 : memref<1x16384xf32, #tpu.memory_space<hbm>> -> memref<16384xf32, #tpu.memory_space<hbm>>
    tpu.wait_dma2 semaphore(%arg15 : memref<!tpu.dma_semaphore, #tpu.memory_space<semaphore_mem>>) src(%arg9 : memref<16384xf32, #tpu.memory_space<vmem>>) dst(%dma_wait3A_72 : memref<16384xf32, #tpu.memory_space<hbm>>)
    %add3A_73 = arith.constant 1 : i32
    %add3A_74 = arith.addi %mul3A_2, %add3A_73 : i32
    "tpu.region"() ({
      %run_scoped3A = tpu.sem_alloc : memref<!tpu.dma_semaphore, #tpu.memory_space<semaphore_mem>>
      %dma_start3A_75 = arith.constant 0 : i32
      %dma_start3A_76 = tpu.memref_slice %arg5[%add3A_74, %dma_start3A_75] : memref<64x16384xf32, #tpu.memory_space<hbm>> -> memref<1x16384xf32, #tpu.memory_space<hbm>>
      %dma_start3A_77 = tpu.memref_squeeze %dma_start3A_76 : memref<1x16384xf32, #tpu.memory_space<hbm>> -> memref<16384xf32, #tpu.memory_space<hbm>>
      %dma_start3A_78 = arith.constant 0 : i32
      %dma_start3A_79 = tpu.memref_slice %arg5[%add3A_74, %dma_start3A_78] : memref<64x16384xf32, #tpu.memory_space<hbm>> -> memref<1x16384xf32, #tpu.memory_space<hbm>>
      %dma_start3A_80 = tpu.memref_squeeze %dma_start3A_79 : memref<1x16384xf32, #tpu.memory_space<hbm>> -> memref<16384xf32, #tpu.memory_space<hbm>>
      tpu.enqueue_dma source(%arg6 : memref<16384xf32, #tpu.memory_space<vmem>>) target(%dma_start3A_80 : memref<16384xf32, #tpu.memory_space<hbm>>) target_semaphore(%run_scoped3A : memref<!tpu.dma_semaphore, #tpu.memory_space<semaphore_mem>>)
      %dma_wait3A_81 = arith.constant 0 : i32
      %dma_wait3A_82 = tpu.memref_slice %arg5[%add3A_74, %dma_wait3A_81] : memref<64x16384xf32, #tpu.memory_space<hbm>> -> memref<1x16384xf32, #tpu.memory_space<hbm>>
      %dma_wait3A_83 = tpu.memref_squeeze %dma_wait3A_82 : memref<1x16384xf32, #tpu.memory_space<hbm>> -> memref<16384xf32, #tpu.memory_space<hbm>>
      %dma_wait3A_84 = arith.constant 0 : i32
      %dma_wait3A_85 = tpu.memref_slice %arg5[%add3A_74, %dma_wait3A_84] : memref<64x16384xf32, #tpu.memory_space<hbm>> -> memref<1x16384xf32, #tpu.memory_space<hbm>>
      %dma_wait3A_86 = tpu.memref_squeeze %dma_wait3A_85 : memref<1x16384xf32, #tpu.memory_space<hbm>> -> memref<16384xf32, #tpu.memory_space<hbm>>
      tpu.wait_dma2 semaphore(%run_scoped3A : memref<!tpu.dma_semaphore, #tpu.memory_space<semaphore_mem>>) src(%arg6 : memref<16384xf32, #tpu.memory_space<vmem>>) dst(%dma_wait3A_86 : memref<16384xf32, #tpu.memory_space<hbm>>)
      tpu.yield
    }) : () -> ()
    return
  }
}

module attributes {stable_mosaic.version = 14 : i64} {
  func.func @_tc_out_body(%arg0: i32, %arg1: memref<2x16384xf32, #tpu.memory_space<vmem>>, %arg2: memref<1x16384xf32, #tpu.memory_space<vmem>>, %arg3: memref<2x131072xf32, #tpu.memory_space<vmem>>, %arg4: memref<2x131072xf32, #tpu.memory_space<vmem>>, %arg5: memref<2x131072xf32, #tpu.memory_space<vmem>>, %arg6: memref<2x131072xf32, #tpu.memory_space<vmem>>) attributes {dimension_semantics = [#tpu.dimension_semantics<arbitrary>], iteration_bounds = array<i64: 8>, scalar_prefetch = 0 : i64, scratch_operands = 0 : i64, tpu.core_type = #tpu.core_type<tc>, window_params = [{pipeline_mode = #tpu.pipeline_mode<synchronous>, transform_indices = @transform_0, window_bounds = array<i64: 2, 16384>}, {pipeline_mode = #tpu.pipeline_mode<synchronous>, transform_indices = @transform_1, window_bounds = array<i64: 1, 16384>}, {transform_indices = @transform_2, window_bounds = array<i64: 2, 131072>}, {transform_indices = @transform_3, window_bounds = array<i64: 2, 131072>}, {transform_indices = @transform_4, window_bounds = array<i64: 2, 131072>}, {transform_indices = @transform_5, window_bounds = array<i64: 2, 131072>}]} {
    %get3A = arith.constant 0 : index
    %get3A_0 = arith.constant 0 : index
    %get3A_1 = vector.load %arg1[%get3A, %get3A_0] : memref<2x16384xf32, #tpu.memory_space<vmem>>, vector<2x16384xf32>
    %get3A_2 = arith.constant 0 : index
    %get3A_3 = arith.constant 0 : index
    %get3A_4 = vector.load %arg2[%get3A_2, %get3A_3] : memref<1x16384xf32, #tpu.memory_space<vmem>>, vector<1x16384xf32>
    %get3A_5 = arith.constant 0 : index
    %get3A_6 = arith.constant 0 : index
    %get3A_7 = vector.load %arg3[%get3A_5, %get3A_6] : memref<2x131072xf32, #tpu.memory_space<vmem>>, vector<2x131072xf32>
    %logistic3A = arith.negf %get3A_1 : vector<2x16384xf32>
    %logistic3A_8 = math.exp %logistic3A : vector<2x16384xf32>
    %logistic3A_9 = arith.constant 1.000000e+00 : f32
    %logistic3A_10 = vector.broadcast %logistic3A_9 : f32 to vector<2x16384xf32>
    %logistic3A_11 = arith.addf %logistic3A_10, %logistic3A_8 : vector<2x16384xf32>
    %logistic3A_12 = arith.divf %logistic3A_10, %logistic3A_11 : vector<2x16384xf32>
    %mul3A = arith.constant 1.638300e+04 : f32
    %mul3A_13 = vector.broadcast %mul3A : f32 to vector<2x16384xf32>
    %mul3A_14 = arith.mulf %logistic3A_12, %mul3A_13 : vector<2x16384xf32>
    %add3A = arith.constant 2.000000e+00 : f32
    %add3A_15 = vector.broadcast %add3A : f32 to vector<1x16384xf32>
    %add3A_16 = arith.addf %get3A_4, %add3A_15 : vector<1x16384xf32>
    %custom_jvp_call3A = arith.constant 0.000000e+00 : f32
    %max3A = vector.broadcast %custom_jvp_call3A : f32 to vector<1x16384xf32>
    %max3A_17 = arith.maximumf %add3A_16, %max3A : vector<1x16384xf32>
    %sub3A = vector.broadcast %custom_jvp_call3A : f32 to vector<1x16384xf32>
    %sub3A_18 = arith.subf %add3A_16, %sub3A : vector<1x16384xf32>
    %ne3A = arith.cmpf one, %sub3A_18, %sub3A_18 : vector<1x16384xf32>
    %add3A_19 = vector.broadcast %custom_jvp_call3A : f32 to vector<1x16384xf32>
    %add3A_20 = arith.addf %add3A_16, %add3A_19 : vector<1x16384xf32>
    %abs3A = math.absf %sub3A_18 : vector<1x16384xf32>
    %neg3A = arith.constant 0.000000e+00 : f32
    %neg3A_21 = vector.broadcast %neg3A : f32 to vector<1x16384xf32>
    %neg3A_22 = arith.subf %neg3A_21, %abs3A : vector<1x16384xf32>
    %exp3A = math.exp %neg3A_22 : vector<1x16384xf32>
    %log1p3A = math.log1p %exp3A : vector<1x16384xf32>
    %add3A_23 = arith.addf %max3A_17, %log1p3A : vector<1x16384xf32>
    %select_n3A = arith.select %ne3A, %add3A_20, %add3A_23 : vector<1x16384xi1>, vector<1x16384xf32>
    %add3A_24 = arith.constant 1.000000e-07 : f32
    %add3A_25 = vector.broadcast %add3A_24 : f32 to vector<1x16384xf32>
    %add3A_26 = arith.addf %select_n3A, %add3A_25 : vector<1x16384xf32>
    %concatenate3A = tpu.concatenate %mul3A_14, %mul3A_14, %mul3A_14, %mul3A_14, %mul3A_14, %mul3A_14, %mul3A_14, %mul3A_14 in 1 : vector<2x16384xf32>, vector<2x16384xf32>, vector<2x16384xf32>, vector<2x16384xf32>, vector<2x16384xf32>, vector<2x16384xf32>, vector<2x16384xf32>, vector<2x16384xf32> -> vector<2x131072xf32>
    %concatenate3A_27 = tpu.concatenate %add3A_26, %add3A_26, %add3A_26, %add3A_26, %add3A_26, %add3A_26, %add3A_26, %add3A_26 in 1 : vector<1x16384xf32>, vector<1x16384xf32>, vector<1x16384xf32>, vector<1x16384xf32>, vector<1x16384xf32>, vector<1x16384xf32>, vector<1x16384xf32>, vector<1x16384xf32> -> vector<1x131072xf32>
    %mul3A_28 = vector.broadcast %concatenate3A_27 : vector<1x131072xf32> to vector<2x131072xf32>
    %mul3A_29 = arith.mulf %mul3A_28, %get3A_7 : vector<2x131072xf32>
    %add3A_30 = arith.addf %concatenate3A, %mul3A_29 : vector<2x131072xf32>
    %swap3A = arith.constant 0 : index
    %swap3A_31 = arith.constant 0 : index
    %swap3A_32 = vector.load %arg4[%swap3A, %swap3A_31] : memref<2x131072xf32, #tpu.memory_space<vmem>>, vector<2x131072xf32>
    tpu.vector_store %arg4[%swap3A, %swap3A_31], %concatenate3A {strides = array<i32>} : memref<2x131072xf32, #tpu.memory_space<vmem>>, vector<2x131072xf32>,
    %broadcast_in_dim3A = vector.shape_cast %concatenate3A_27 : vector<1x131072xf32> to vector<1x131072xf32>
    %broadcast_in_dim3A_33 = vector.broadcast %broadcast_in_dim3A : vector<1x131072xf32> to vector<2x131072xf32>
    %swap3A_34 = arith.constant 0 : index
    %swap3A_35 = arith.constant 0 : index
    %swap3A_36 = vector.load %arg5[%swap3A_34, %swap3A_35] : memref<2x131072xf32, #tpu.memory_space<vmem>>, vector<2x131072xf32>
    tpu.vector_store %arg5[%swap3A_34, %swap3A_35], %broadcast_in_dim3A_33 {strides = array<i32>} : memref<2x131072xf32, #tpu.memory_space<vmem>>, vector<2x131072xf32>,
    %swap3A_37 = arith.constant 0 : index
    %swap3A_38 = arith.constant 0 : index
    %swap3A_39 = vector.load %arg6[%swap3A_37, %swap3A_38] : memref<2x131072xf32, #tpu.memory_space<vmem>>, vector<2x131072xf32>
    tpu.vector_store %arg6[%swap3A_37, %swap3A_38], %add3A_30 {strides = array<i32>} : memref<2x131072xf32, #tpu.memory_space<vmem>>, vector<2x131072xf32>,
    return
  }
  func.func @transform_0(%arg0: i32) -> (i32, i32) {
    %c0_i32 = arith.constant 0 : i32
    %c0_i32_0 = arith.constant 0 : i32
    %c0_i32_1 = arith.constant 0 : i32
    return %c0_i32, %c0_i32_0 : i32, i32
  }
  func.func @transform_1(%arg0: i32) -> (i32, i32) {
    %c0_i32 = arith.constant 0 : i32
    %c0_i32_0 = arith.constant 0 : i32
    %c0_i32_1 = arith.constant 0 : i32
    return %c0_i32, %c0_i32_0 : i32, i32
  }
  func.func @transform_2(%arg0: i32) -> (i32, i32) {
    %c0_i32 = arith.constant 0 : i32
    %c0_i32_0 = arith.constant 0 : i32
    return %c0_i32, %arg0 : i32, i32
  }
  func.func @transform_3(%arg0: i32) -> (i32, i32) {
    %c0_i32 = arith.constant 0 : i32
    %c0_i32_0 = arith.constant 0 : i32
    return %c0_i32, %arg0 : i32, i32
  }
  func.func @transform_4(%arg0: i32) -> (i32, i32) {
    %c0_i32 = arith.constant 0 : i32
    %c0_i32_0 = arith.constant 0 : i32
    return %c0_i32, %arg0 : i32, i32
  }
  func.func @transform_5(%arg0: i32) -> (i32, i32) {
    %c0_i32 = arith.constant 0 : i32
    %c0_i32_0 = arith.constant 0 : i32
    return %c0_i32, %arg0 : i32, i32
  }
}

module attributes {stable_mosaic.version = 14 : i64} {
  func.func @_tc_idx_body(%arg0: i32, %arg1: memref<2x16384xf32, #tpu.memory_space<vmem>>, %arg2: memref<1x16384xf32, #tpu.memory_space<vmem>>, %arg3: memref<2x131072xf32, #tpu.memory_space<vmem>>, %arg4: memref<2x131072xi32, #tpu.memory_space<vmem>>) attributes {dimension_semantics = [#tpu.dimension_semantics<arbitrary>], iteration_bounds = array<i64: 8>, scalar_prefetch = 0 : i64, scratch_operands = 0 : i64, tpu.core_type = #tpu.core_type<tc>, window_params = [{pipeline_mode = #tpu.pipeline_mode<synchronous>, transform_indices = @transform_0, window_bounds = array<i64: 2, 16384>}, {pipeline_mode = #tpu.pipeline_mode<synchronous>, transform_indices = @transform_1, window_bounds = array<i64: 1, 16384>}, {transform_indices = @transform_2, window_bounds = array<i64: 2, 131072>}, {transform_indices = @transform_3, window_bounds = array<i64: 2, 131072>}]} {
    %get3A = arith.constant 0 : index
    %get3A_0 = arith.constant 0 : index
    %get3A_1 = vector.load %arg1[%get3A, %get3A_0] : memref<2x16384xf32, #tpu.memory_space<vmem>>, vector<2x16384xf32>
    %get3A_2 = arith.constant 0 : index
    %get3A_3 = arith.constant 0 : index
    %get3A_4 = vector.load %arg2[%get3A_2, %get3A_3] : memref<1x16384xf32, #tpu.memory_space<vmem>>, vector<1x16384xf32>
    %get3A_5 = arith.constant 0 : index
    %get3A_6 = arith.constant 0 : index
    %get3A_7 = vector.load %arg3[%get3A_5, %get3A_6] : memref<2x131072xf32, #tpu.memory_space<vmem>>, vector<2x131072xf32>
    %logistic3A = arith.negf %get3A_1 : vector<2x16384xf32>
    %logistic3A_8 = math.exp %logistic3A : vector<2x16384xf32>
    %logistic3A_9 = arith.constant 1.000000e+00 : f32
    %logistic3A_10 = vector.broadcast %logistic3A_9 : f32 to vector<2x16384xf32>
    %logistic3A_11 = arith.addf %logistic3A_10, %logistic3A_8 : vector<2x16384xf32>
    %logistic3A_12 = arith.divf %logistic3A_10, %logistic3A_11 : vector<2x16384xf32>
    %mul3A = arith.constant 1.638300e+04 : f32
    %mul3A_13 = vector.broadcast %mul3A : f32 to vector<2x16384xf32>
    %mul3A_14 = arith.mulf %logistic3A_12, %mul3A_13 : vector<2x16384xf32>
    %add3A = arith.constant 2.000000e+00 : f32
    %add3A_15 = vector.broadcast %add3A : f32 to vector<1x16384xf32>
    %add3A_16 = arith.addf %get3A_4, %add3A_15 : vector<1x16384xf32>
    %custom_jvp_call3A = arith.constant 0.000000e+00 : f32
    %max3A = vector.broadcast %custom_jvp_call3A : f32 to vector<1x16384xf32>
    %max3A_17 = arith.maximumf %add3A_16, %max3A : vector<1x16384xf32>
    %sub3A = vector.broadcast %custom_jvp_call3A : f32 to vector<1x16384xf32>
    %sub3A_18 = arith.subf %add3A_16, %sub3A : vector<1x16384xf32>
    %ne3A = arith.cmpf one, %sub3A_18, %sub3A_18 : vector<1x16384xf32>
    %add3A_19 = vector.broadcast %custom_jvp_call3A : f32 to vector<1x16384xf32>
    %add3A_20 = arith.addf %add3A_16, %add3A_19 : vector<1x16384xf32>
    %abs3A = math.absf %sub3A_18 : vector<1x16384xf32>
    %neg3A = arith.constant 0.000000e+00 : f32
    %neg3A_21 = vector.broadcast %neg3A : f32 to vector<1x16384xf32>
    %neg3A_22 = arith.subf %neg3A_21, %abs3A : vector<1x16384xf32>
    %exp3A = math.exp %neg3A_22 : vector<1x16384xf32>
    %log1p3A = math.log1p %exp3A : vector<1x16384xf32>
    %add3A_23 = arith.addf %max3A_17, %log1p3A : vector<1x16384xf32>
    %select_n3A = arith.select %ne3A, %add3A_20, %add3A_23 : vector<1x16384xi1>, vector<1x16384xf32>
    %add3A_24 = arith.constant 1.000000e-07 : f32
    %add3A_25 = vector.broadcast %add3A_24 : f32 to vector<1x16384xf32>
    %add3A_26 = arith.addf %select_n3A, %add3A_25 : vector<1x16384xf32>
    %concatenate3A = tpu.concatenate %mul3A_14, %mul3A_14, %mul3A_14, %mul3A_14, %mul3A_14, %mul3A_14, %mul3A_14, %mul3A_14 in 1 : vector<2x16384xf32>, vector<2x16384xf32>, vector<2x16384xf32>, vector<2x16384xf32>, vector<2x16384xf32>, vector<2x16384xf32>, vector<2x16384xf32>, vector<2x16384xf32> -> vector<2x131072xf32>
    %concatenate3A_27 = tpu.concatenate %add3A_26, %add3A_26, %add3A_26, %add3A_26, %add3A_26, %add3A_26, %add3A_26, %add3A_26 in 1 : vector<1x16384xf32>, vector<1x16384xf32>, vector<1x16384xf32>, vector<1x16384xf32>, vector<1x16384xf32>, vector<1x16384xf32>, vector<1x16384xf32>, vector<1x16384xf32> -> vector<1x131072xf32>
    %mul3A_28 = vector.broadcast %concatenate3A_27 : vector<1x131072xf32> to vector<2x131072xf32>
    %mul3A_29 = arith.mulf %mul3A_28, %get3A_7 : vector<2x131072xf32>
    %add3A_30 = arith.addf %concatenate3A, %mul3A_29 : vector<2x131072xf32>
    %round3A = math.roundeven %add3A_30 : vector<2x131072xf32>
    %jit3A = arith.constant 0.000000e+00 : f32
    %jit3A_31 = arith.constant 1.638300e+04 : f32
    %max3A_32 = vector.broadcast %jit3A : f32 to vector<2x131072xf32>
    %max3A_33 = arith.maximumf %max3A_32, %round3A : vector<2x131072xf32>
    %min3A = vector.broadcast %jit3A_31 : f32 to vector<2x131072xf32>
    %min3A_34 = arith.minimumf %min3A, %max3A_33 : vector<2x131072xf32>
    %convert_element_type3A = arith.fptosi %min3A_34 : vector<2x131072xf32> to vector<2x131072xi32>
    %swap3A = arith.constant 0 : index
    %swap3A_35 = arith.constant 0 : index
    %swap3A_36 = vector.load %arg4[%swap3A, %swap3A_35] : memref<2x131072xi32, #tpu.memory_space<vmem>>, vector<2x131072xi32>
    tpu.vector_store %arg4[%swap3A, %swap3A_35], %convert_element_type3A {strides = array<i32>} : memref<2x131072xi32, #tpu.memory_space<vmem>>, vector<2x131072xi32>,
    return
  }
  func.func @transform_0(%arg0: i32) -> (i32, i32) {
    %c0_i32 = arith.constant 0 : i32
    %c0_i32_0 = arith.constant 0 : i32
    %c0_i32_1 = arith.constant 0 : i32
    return %c0_i32, %c0_i32_0 : i32, i32
  }
  func.func @transform_1(%arg0: i32) -> (i32, i32) {
    %c0_i32 = arith.constant 0 : i32
    %c0_i32_0 = arith.constant 0 : i32
    %c0_i32_1 = arith.constant 0 : i32
    return %c0_i32, %c0_i32_0 : i32, i32
  }
  func.func @transform_2(%arg0: i32) -> (i32, i32) {
    %c0_i32 = arith.constant 0 : i32
    %c0_i32_0 = arith.constant 0 : i32
    return %c0_i32, %arg0 : i32, i32
  }
  func.func @transform_3(%arg0: i32) -> (i32, i32) {
    %c0_i32 = arith.constant 0 : i32
    %c0_i32_0 = arith.constant 0 : i32
    return %c0_i32, %arg0 : i32, i32
  }
}

</mosaic_0001>

<sc_bundles>
// kernel: kernel.5.cloned.1.call-start
scs
__scs_entry_jumppad:
0x0: {  	(pc) =	sbr.rel $0x88, $3  }
0x1: {  	(tag) =	ssettag $0x0;
	lr =	simm.s32 $0x1  }
0x2: {  	[smem:$0x3F9C] =	sst lr;
	_ =	strace $0xD0000000  }
0x3: {  	_ = 	snop  }
0x4: {  	_ = 	snop  }
0x5: {  	_ = 	snop  }
0x6: {  	_ = 	snop  }
0x7: {  	_ = 	snop  }
__scs_overlays_trampoline_lowered:
0x8: {  	[smem:$0x3FAB] =	sst s0  }
0x9: {  	[smem:$0x3FAC] =	sst s1  }
0xa: {  	[smem:$0x3FAD] =	sst s2  }
0xb: {  	[smem:$0x3FAE] =	sst s3  }
0xc: {  	[smem:$0x3FAF] =	sst s4  }
0xd: {  	[smem:$0x3FB0] =	sst s5  }
0xe: {  	[smem:$0x3FB1] =	sst s6  }
0xf: {  	[smem:$0x3FB2] =	sst s7  }
0x10: {  	[smem:$0x3FB3] =	sst s8  }
0x11: {  	[smem:$0x3FB4] =	sst s9;
	s0 =	simm.s32 @!p0 $0x0  }
0x12: {  	s1 =	sld [smem:$0x3F9A];
	s0 =	simm.s32 @p0 $0x1  }
0x13: {  	[smem:$0x3FB5] =	sst s0;
	s0 =	simm.s32 @!p1 $0x0  }
0x14: {  	s2 =	sld [smem:$0x3F99];
	s0 =	simm.s32 @p1 $0x1  }
0x15: {  	[smem:$0x3FB6] =	sst s0;
	s0 =	simm.s32 @!p2 $0x0  }
0x16: {  	s3 =	sld [smem:$0x3FDB];
	s0 =	simm.s32 @p2 $0x1  }
0x17: {  	s4 =	simm.s32 $0x1BF5;
	[smem:$0x3FB8] =	sst s0  }
0x18: {  	s0 =	sld [smem:$0x3F9B];
	_ =	swait.ge [sflag:s4], $0x0  }
0x19: {  	s7 =	sld [smem:$0x3F9C]  }
0x1a: {  	s8 =	sadd.s32 $0xFFFFE003, lr  }
0x1b: {  	s9 =	sadd.s32 $0xFFFFFEF7, lr;
	s5 =	simm.s32 $0xFFFFFFFF;
	p2 =	slt.u32 s8, $0xFFFFF086  }
0x1c: {  	p1 =	slt.u32 s9, $0xF7A;
	s5 =	simm.s32 @!p2 $0x0  }
0x1d: {  	s5 =	simm.s32 @p1 $0x1;
	p0 =	seq.s32 s7, s2  }
0x1e: {  	s7 =	smul.u32 @!p0 $0xF7A, s2;
	p2 =	seq.s32 @!p0 s5, $0x0  }
0x1f: {  	s9 =	smul.u32 $0xF7A, s1;
	s8 =	simm.s32 @!p0 $0x1BF5;
	p2 =	por !p2, p0  }
0x20: {  	[sflag:s8] =	ssyncset.s32 @!p0 $0xFFFFF086;
	s6 =	sadd.s32 @!p0 s3, s7;
	s7 =	simm.s32 @!p0 $0x108  }
0x21: {  	s3 =	sadd.s32 s3, s9;
	s6 =	sadd.s32 @!p0 $0x88, s6;
	s7 =	simm.s32 @p2 $0x1082  }
0x22: {  	[simem:s7], [sflag:s8] =	dma.local @!p0 [hbm:s6], $0xF7A  }
0x23: {  	s9 =	sor.u32 $0xD0000000, s2;
	s6 =	simm.s32 $0x108;
	_ =	swait.ge @!p0 [sflag:s8], $0x0  }
0x24: {  	s3 =	sadd.s32 $0x88, s3;
	s6 =	simm.s32 @!p1 $0x1082;
	[sflag:s4] =	ssyncset.s32 $0xFFFFF086  }
0x25: {  	[simem:s6], [sflag:s4] =	dma.local [hbm:s3], $0xF7A  }
0x26: {  	[smem:$0x3F9C] =	sst s1;
	(tag) =	ssettag s2;
	_ =	strace s9  }
0x27: {  	s1 =	sld [smem:$0x3FAC]  }
0x28: {  	s2 =	sld [smem:$0x3FAD]  }
0x29: {  	s4 =	sld [smem:$0x3FAF]  }
0x2a: {  	p0 =	seq.s32 s5, $0x0;
	s5 =	sld [smem:$0x3FB0]  }
0x2b: {  	s6 =	sld [smem:$0x3FB1]  }
0x2c: {  	s7 =	sld [smem:$0x3FB2]  }
0x2d: {  	s3 =	simm.s32 $0x108;
	s8 =	sld [smem:$0x3FB3]  }
0x2e: {  	s3 =	simm.s32 @!p0 $0x1082;
	s9 =	sld [smem:$0x3FB4]  }
0x2f: {  	lr =	sadd.s32 s0, s3;
	s0 =	sld [smem:$0x3FAB]  }
0x30: {  	s3 =	sld [smem:$0x3FAE]  }
0x31: {  	[smem:$0x3FB7] =	sst s10  }
0x32: {  	s10 =	sld [smem:$0x3FB5];
	_ =	sdelay $0x3  }
0x33: {  	p0 =	seq.s32 s10, $0x1;
	s10 =	sld [smem:$0x3FB7];
	_ =	sdelay $0x3  }
0x34: {  	[smem:$0x3FB7] =	sst s10  }
0x35: {  	s10 =	sld [smem:$0x3FB6];
	_ =	sdelay $0x3  }
0x36: {  	p1 =	seq.s32 s10, $0x1;
	s10 =	sld [smem:$0x3FB7];
	_ =	sdelay $0x3  }
0x37: {  	[smem:$0x3FB7] =	sst s10  }
0x38: {  	s10 =	sld [smem:$0x3FB8]  }
0x39: {  	_ = 	snop;
	(pc) =	sbr.ind lr, $3  }
0x3a: {  	_ = 	snop  }
0x3b: {  	_ = 	snop  }
0x3c: {  	p2 =	seq.s32 s10, $0x1;
	s10 =	sld [smem:$0x3FB7]  }
0x3d: {  	_ =	shalt  }
0x3e: {  	_ =	shalt  }
0x3f: {  	_ =	shalt  }
0x40: {  	_ =	shalt  }
0x41: {  	_ =	shalt  }
0x42: {  	_ =	shalt  }
0x43: {  	_ =	shalt  }
0x44: {  	_ =	shalt  }
0x45: {  	_ =	shalt  }
0x46: {  	_ =	shalt  }
0x47: {  	_ =	shalt  }
0x48: {  	_ =	shalt  }
0x49: {  	_ =	shalt  }
0x4a: {  	_ =	shalt  }
0x4b: {  	_ =	shalt  }
0x4c: {  	_ =	shalt  }
0x4d: {  	_ =	shalt  }
0x4e: {  	_ =	shalt  }
0x4f: {  	_ =	shalt  }
0x50: {  	_ =	shalt  }
0x51: {  	_ =	shalt  }
0x52: {  	_ =	shalt  }
0x53: {  	_ =	shalt  }
0x54: {  	_ =	shalt  }
0x55: {  	_ =	shalt  }
0x56: {  	_ =	shalt  }
0x57: {  	_ =	shalt  }
0x58: {  	_ =	shalt  }
0x59: {  	_ =	shalt  }
0x5a: {  	_ =	shalt  }
0x5b: {  	_ =	shalt  }
0x5c: {  	_ =	shalt  }
0x5d: {  	_ =	shalt  }
0x5e: {  	_ =	shalt  }
0x5f: {  	_ =	shalt  }
0x60: {  	_ =	shalt  }
0x61: {  	_ =	shalt  }
0x62: {  	_ =	shalt  }
0x63: {  	_ =	shalt  }
0x64: {  	_ =	shalt  }
0x65: {  	_ =	shalt  }
0x66: {  	_ =	shalt  }
0x67: {  	_ =	shalt  }
0x68: {  	_ =	shalt  }
0x69: {  	_ =	shalt  }
0x6a: {  	_ =	shalt  }
0x6b: {  	_ =	shalt  }
0x6c: {  	_ =	shalt  }
0x6d: {  	_ =	shalt  }
0x6e: {  	_ =	shalt  }
0x6f: {  	_ =	shalt  }
0x70: {  	_ =	shalt  }
0x71: {  	_ =	shalt  }
0x72: {  	_ =	shalt  }
0x73: {  	_ =	shalt  }
0x74: {  	_ =	shalt  }
0x75: {  	_ =	shalt  }
0x76: {  	_ =	shalt  }
0x77: {  	_ =	shalt  }
0x78: {  	_ =	shalt  }
0x79: {  	_ =	shalt  }
0x7a: {  	_ =	shalt  }
0x7b: {  	_ =	shalt  }
0x7c: {  	_ =	shalt  }
0x7d: {  	_ =	shalt  }
0x7e: {  	_ =	shalt  }
0x7f: {  	_ =	shalt  }
0x80: {  	_ =	shalt  }
0x81: {  	_ =	shalt  }
0x82: {  	_ =	shalt  }
0x83: {  	_ =	shalt  }
0x84: {  	_ =	shalt  }
0x85: {  	_ =	shalt  }
0x86: {  	_ =	shalt  }
0x87: {  	_ =	shalt  }
.Lfunc_end0:
.L_simem_size_0:
called_computation_lowered:
.L_overlay_start_0:
0x88: {  	s2 =	sld [smem:$0x3FD9]  }
0x89: {  	s3 =	sld [smem:$0x3FFE];
	_ =	sdelay $0x1  }
0x8a: {  	s1 =	srdreg.scid  }
0x8b: {  	s0 =	sand.u32 $0x1, s1  }
0x8c: {  	s14 =	sshll.u32 s0, $0xA;
	s2 =	sadd.s32 s3, s2  }
0x8d: {  	s2 =	sadd.s32 s2, s14  }
0x8e: {  	[smem:$0x3FC3] =	sst s2  }
0x8f: {  	_ = 	snop  }
0x90: {  	s2 =	sld [smem:$0x3FD0];
	_ =	sdelay $0x1  }
0x91: {  	s15 =	sld [smem:$0x3FC9]  }
0x92: {  	s5 =	simm.s32 $0xA;
	s6 =	simm.s32 $0x10;
	s4 =	sld [smem:$0x3FC5]  }
0x93: {  	[smem:s6], [sflag:s5] =	dma.local [hbm:s2], $0x1  }
0x94: {  	_ =	swait.eq [sflag:s5], $0x1  }
0x95: {  	[sflag:s5] =	ssyncset.done $0x0  }
0x96: {  	[sflag:s5] =	ssyncadd.s32 $0xFFFFFFFF  }
0x97: {  	s16 =	sld [smem:$0x10];
	(tm) =	ssettm $0x1  }
0x98: {  	s17 =	sld [smem:$0x3FFB];
	_ =	sdelay $0x3  }
0x99: {  	_ =	strace s17  }
0x9a: {  	s5 =	sld [smem:$0x3FFC];
	_ =	sdelay $0x3  }
0x9b: {  	_ =	strace s5  }
0x9c: {  	s5 =	sld [smem:$0x3FFD];
	_ =	sdelay $0x3  }
0x9d: {  	_ =	strace s5  }
0x9e: {  	_ =	strace $0x8FFFFFFF  }
0x9f: {  	s18 =	sld [smem:$0x3FDB];
	_ =	sdelay $0x1  }
0xa0: {  	s19 =	simm.s32 $_scs_section_size  }
0xa1: {  	s7 =	simm.s32 $_size__tile_overlayer_lowered;
	s8 =	simm.s32 $_tile_overlayer_lowered  }
0xa2: {  	s22 =	simm.s32 $0x1BFF;
	s21 =	sshll.u32 s8, $0x1;
	s5 =	sadd.s32 s19, s18  }
0xa3: {  	s9 =	simm.s32 $0x0;
	s20 =	sshll.u32 s7, $0x1;
	s7 =	sadd.s32 s21, s5  }
0xa4: {  	[timem:s9], [sflag:s22] =	dma.local [hbm:s7], s20  }
0xa5: {  	_ =	swait.ge [sflag:s22], s20  }
0xa6: {  	s6 =	ssub.s32 $0x0, s20;
	[sflag:s22] =	ssyncset.done $0x0  }
0xa7: {  	[sflag:s22] =	ssyncadd.s32 s6;
	_ =	sdelay $0x1  }
0xa8: {  	s23 =	simm.s32 $0x1B8B  }
0xa9: {  	_ =	swait.ge [sflag:s23], $0x1  }
0xaa: {  	[sflag:s23] =	ssyncset.done $0x0  }
0xab: {  	s25 =	simm.s32 $0x1B8E;
	s24 =	sld [smem:$0x3FFE];
	[sflag:s23] =	ssyncadd.s32 $0xFFFFFFFF  }
0xac: {  	s26 =	simm.s32 $execute0_lowered;
	[smem:$0x3FD2] =	sst s25  }
0xad: {  	s7 =	sshll.u32 s26, $0x1;
	_ =	strace $0x80000046;
	[dreg:$0x1] =	wrdreg $0xFFFFFFFF  }
0xae: {  	s28 =	simm.s32 $_size_execute0_lowered;
	s5 =	sadd.s32 s5, s7;
	[dreg:$0x0] =	wrdreg $0x0  }
0xaf: {  	s7 =	sshll.u32 s28, $0x1;
	[dreg:$0x2] =	wrdreg s5  }
0xb0: {  	[dreg:$0x3] =	wrdreg s7  }
0xb1: {  	[dreg:$0x4] =	wrdreg $0xC0  }
0xb2: {  	_ =	task [dreg:s9], $0x5FFFF  }
0xb3: {  	[dreg:$0x1] =	wrdreg $0xFFFFFFFF  }
0xb4: {  	[dreg:$0x0] =	wrdreg $0x60  }
0xb5: {  	[dreg:$0x2] =	wrdreg s15  }
0xb6: {  	[dreg:$0x3] =	wrdreg s24  }
0xb7: {  	[dreg:$0x4] =	wrdreg s4  }
0xb8: {  	[dreg:$0x5] =	wrdreg s16  }
0xb9: {  	[dreg:$0x6] =	wrdreg $0x9  }
0xba: {  	_ =	task.clear_ibuf [dreg:s9], $0x7FFFF;
	_ =	strace $0x90000046  }
0xbb: {  	s29 =	simm.s32 $0x9;
	_ =	strace $0x80000048  }
0xbc: {  	_ =	swait.ge [sflag:s29], $0x1  }
0xbd: {  	[sflag:s29] =	ssyncadd.s32 $0xFFFFFFFF  }
0xbe: {  	_ =	strace $0x90000048  }
0xbf: {  	_ =	sfence  }
0xc0: {  	s30 =	sld [smem:$0x0];
	_ =	sdelay $0x2  }
0xc1: {  	s31 =	sshll.u32 s1, $0xD;
	s1 =	sshrl.u32 s1, $0x2  }
0xc2: {  	s3 =	sand.u32 $0x4000, s31;
	s1 =	sadd.s32 s1, s30  }
0xc3: {  	s0 =	sor.u32 s3, s0;
	s1 =	sshll.u32 s1, $0x11  }
0xc4: {  	s0 =	sor.u32 s1, s0  }
0xc5: {  	s0 =	sadd.s32 $0x8F2B, s0  }
0xc6: {  	[sflag:s0] =	ssyncadd.remote.s32 $0x1  }
0xc7: {  	_ =	sfence.sel $0xFFFF  }
0xc8: {  	[dreg:$0x0] =	wrdreg $0xFFFFFFFF;
	(pc) =	sbr.abs _section_cstart, $3  }
0xc9: {  	[dreg:$0x1] =	wrdreg $0xFFFFFFFF  }
0xca: {  	_ =	task.clear_ibuf [dreg:s9], $0x2FFFF;
	_ =	strace $0x9FFFFFFF  }
0xcb: {  	(tm) =	ssettm $0x7FFFFFFF  }
tec
execute0_lowered:
.L_overlay_start_1:
0x0: {  	(tag) =	ssettag $0x1  }
0x1: {  	s6 =	rddreg [dreg:$0x0]  }
0x2: {  	s4 =	rddreg [dreg:$0x1]  }
0x3: {  	s1 =	rddreg [dreg:$0x2]  }
0x4: {  	s9 =	rddreg [dreg:$0x3]  }
0x5: {  	s0 =	rddreg [dreg:$0x4];
	s3 =	simm.s32 $0x0;
	s5 =	srdreg.scid  }
0x6: {  	s2 =	stileid.u32;
	s14 =	simm.s32 $0x8000;
	s15 =	simm.s32 $0x4000  }
0x7: {  	s16 =	simm.s32 $0x1;
	s17 =	simm.s32 $0x2;
	s18 =	simm.s32 $0x4  }
0x8: {  	s19 =	simm.s32 $0x10000;
	s20 =	simm.s32 $0x3;
	s21 =	simm.s32 $0x5  }
0x9: {  	s22 =	simm.s32 $0x6;
	s23 =	simm.s32 $0x0;
	[smem:$0x7FF] =	sst s3  }
0xa: {  	s5 =	sand.u32 $0x1, s5;
	s7 =	sshll.u32 s2, $0x1;
	s8 =	sadd.s32 $0xE00, s4  }
0xb: {  	s30 =	sshll.u32 s2, $0x10;
	_ =	strace $0x80000047;
	s7 =	sor.u32 s5, s7  }
0xc: {  	s5 =	ssub.s32 $0x2, s5;
	s10 =	sshll.u32 s7, $0x8;
	s11 =	sshllo.u32 s7, $0x1  }
0xd: {  	s12 =	sshrl.u32 s5, $0x1;
	s7 =	sshll.u32 s7, $0xD;
	s10 =	sor.u32 s30, s10  }
0xe: {  	s13 =	sshll.u32 s11, $0x7;
	s12 =	ssub.s32 s5, s12;
	s5 =	sadd.s32 s8, s7  }
0xf: {  	s11 =	sshll.u32 s11, $0xC;
	s10 =	sand.u32 $0xE0300, s10;
	s31 =	sor.u32 s30, s13  }
0x10: {  	s8 =	sadd.s32 s8, s11;
	s10 =	sshrl.u32 s10, $0x3;
	s13 =	sand.u32 $0xE0380, s31  }
0x11: {  	s11 =	simm.s32 $0x14000;
	s4 =	sadd.s32 s6, s10;
	s13 =	sshrl.u32 s13, $0x3  }
0x12: {  	s7 =	sadd.s32 s9, s10;
	s10 =	smax.u32 s12, $0x1;
	s12 =	simm.s32 $0x80  }
0x13: {  	v0 =	vimm.f32 $0.0e+00;
	s6 =	sadd.s32 s6, s13;
	s9 =	sadd.s32 s9, s13;
	s13 =	simm.s32 $0x400  }
.LBB2_1:
0x14: {  	[tilespmem:s11], [sflag:$0x1] =	stream.linear.gather [hbm4b:s1+s3], $0x4000, $0x38;
	[tilespmem:$0x18000] =	vst v63  }
0x15: {  	_ = 	snop  }
0x16: {  	[tilespmem:s3], [sflag:$0x2] =	stream.strided.gather [hbm4b:s4+s12], $0x4000, s13, s12, $0x38;
	[tilespmem:$0x18000] =	vst v63  }
0x17: {  	_ = 	snop  }
0x18: {  	[tilespmem:s14], [sflag:$0x4] =	stream.linear.gather [hbm4b:s5+s3], $0x8000, $0x38;
	[tilespmem:$0x18000] =	vst v63  }
0x19: {  	s24 =	simm.s32 $0x10040  }
0x1a: {  	[tilespmem:s15], [sflag:$0x3] =	stream.strided.gather [hbm4b:s6+s12], $0x4000, s13, s12, $0x38;
	[tilespmem:$0x18000] =	vst v63  }
0x1b: {  	[tilespmem:s24+$0xFFFFFFC0] =	vst v0  }
0x1c: {  	[tilespmem:s24+$0x30] =	vst v0  }
0x1d: {  	[tilespmem:s24+$0x20] =	vst v0  }
0x1e: {  	[tilespmem:s24+$0x10] =	vst v0  }
0x1f: {  	[tilespmem:s24+$0x0] =	vst v0  }
0x20: {  	[tilespmem:s24+$0xFFFFFFF0] =	vst v0  }
0x21: {  	s25 =	simm.s32 $0x0;
	[tilespmem:s24+$0xFFFFFFE0] =	vst v0  }
.LBB2_2:
0x22: {  	s25 =	sadd.s32 $0x8, s25;
	[tilespmem:s24+$0xFFFFFFD0] =	vst v0;
	s24 =	sadd.s32 $0x80, s24  }
0x23: {  	[tilespmem:s24+$0xFFFFFFC0] =	vst v0;
	p0 =	slt.u32 s25, $0x3F8  }
0x24: {  	[tilespmem:s24+$0x30] =	vst v0  }
.Ltmp0:
0x25: {  	[tilespmem:s24+$0x20] =	vst v0;
	(pc) =	sbr.rel @p0 .LBB2_2-.Ltmp0, $4  }
0x26: {  	[tilespmem:s24+$0x10] =	vst v0  }
0x27: {  	[tilespmem:s24+$0x0] =	vst v0  }
0x28: {  	[tilespmem:s24+$0xFFFFFFF0] =	vst v0  }
0x29: {  	[tilespmem:s24+$0xFFFFFFE0] =	vst v0  }
0x2a: {  	[tilespmem:s24+$0xFFFFFFD0] =	vst v0  }
0x2b: {  	_ =	swait.ge [sflag:s16], $0x4000  }
0x2c: {  	[sflag:s16] =	ssyncset.done $0x0  }
0x2d: {  	[sflag:s16] =	ssyncadd.s32 $0xFFFFC000  }
0x2e: {  	_ =	swait.ge [sflag:s17], $0x4000  }
0x2f: {  	[sflag:s17] =	ssyncset.done $0x0  }
0x30: {  	[sflag:s17] =	ssyncadd.s32 $0xFFFFC000  }
0x31: {  	_ =	swait.ge [sflag:s18], $0x8000  }
0x32: {  	[sflag:s18] =	ssyncset.done $0x0  }
0x33: {  	s25 =	simm.s32 $0x8080;
	[sflag:s18] =	ssyncadd.s32 $0xFFFF8000  }
0x34: {  	v1 =	vld [tilespmem:s25+$0x70]  }
0x35: {  	v2 =	vld [tilespmem:s25+$0x10]  }
0x36: {  	v3 =	vld [tilespmem:s25+$0x20]  }
0x37: {  	v4 =	vld [tilespmem:s25+$0x30]  }
0x38: {  	v5 =	vld [tilespmem:s25+$0x40]  }
0x39: {  	v6 =	vld [tilespmem:s25+$0x50]  }
0x3a: {  	s24 =	simm.s32 $0x14040;
	v7 =	vld [tilespmem:s25+$0xFFFFFFF0]  }
0x3b: {  	v8 =	vld [tilespmem:s24+$0x30]  }
0x3c: {  	v9 =	vld [tilespmem:s25+$0x60]  }
0x3d: {  	v10 =	vld [tilespmem:s25+$0x0]  }
0x3e: {  	v56 =	vld [tilespmem:s25+$0xFFFFFF90]  }
0x3f: {  	v57 =	vld [tilespmem:s24+$0xFFFFFFD0]  }
0x40: {  	v58 =	vld [tilespmem:s24+$0xFFFFFFE0]  }
0x41: {  	v11 =	vld [tilespmem:s24+$0xFFFFFFF0]  }
0x42: {  	v12 =	vld [tilespmem:s25+$0xFFFFFFA0]  }
0x43: {  	v13 =	vld [tilespmem:s24+$0x0]  }
0x44: {  	v14 =	vld [tilespmem:s24+$0x10]  }
0x45: {  	v59 =	vld [tilespmem:s25+$0xFFFFFFB0]  }
0x46: {  	v60 =	vld [tilespmem:s25+$0xFFFFFFC0]  }
0x47: {  	v61 =	vld [tilespmem:s25+$0xFFFFFFE0]  }
0x48: {  	v62 =	vld [tilespmem:s24+$0x20]  }
0x49: {  	v1 =	vld.idx.msk [tilespmem:v1+s3+$0x0], $0xffff  }
0x4a: {  	v2 =	vld.idx.msk [tilespmem:v2+s3+$0x0], $0xffff  }
0x4b: {  	v15 =	vld [tilespmem:s24+$0xFFFFFFC0]  }
0x4c: {  	v3 =	vld.idx.msk [tilespmem:v3+s3+$0x0], $0xffff  }
0x4d: {  	v4 =	vld.idx.msk [tilespmem:v4+s3+$0x0], $0xffff  }
0x4e: {  	v5 =	vld.idx.msk [tilespmem:v5+s3+$0x0], $0xffff;
	v1 =	vmul.f32 v8, v1  }
0x4f: {  	v55 =	vld.idx.msk [tilespmem:v9+s3+$0x0], $0xffff;
	v2 =	vmul.f32 v57, v2  }
0x50: {  	[tilespmem:v7+s19+$0x0] =	vst.idx.add.f32.msk $0xffff, v1  }
0x51: {  	[tilespmem:v56+s19+$0x0] =	vst.idx.add.f32.msk $0xffff, v2  }
0x52: {  	v2 =	vmul.f32 v58, v3;
	v3 =	vld [tilespmem:s25+$0xFFFFFFD0]  }
0x53: {  	v4 =	vmul.f32 v11, v4;
	v1 =	vld.idx.msk [tilespmem:v6+s3+$0x0], $0xffff  }
0x54: {  	v10 =	vld.idx.msk [tilespmem:v10+s3+$0x0], $0xffff;
	v5 =	vmul.f32 v13, v5  }
0x55: {  	v63 =	vmul.f32 v62, v55;
	[tilespmem:v59+s19+$0x0] =	vst.idx.add.f32.msk $0xffff, v4  }
0x56: {  	[tilespmem:v60+s19+$0x0] =	vst.idx.add.f32.msk $0xffff, v5  }
0x57: {  	[tilespmem:v61+s19+$0x0] =	vst.idx.add.f32.msk $0xffff, v63  }
0x58: {  	[tilespmem:v12+s19+$0x0] =	vst.idx.add.f32.msk $0xffff, v2;
	v1 =	vmul.f32 v14, v1  }
0x59: {  	v2 =	vld [tilespmem:s25+$0xFFFFFF80]  }
0x5a: {  	s26 =	simm.s32 $0x8180;
	s25 =	simm.s32 $0x0;
	[tilespmem:v3+s19+$0x0] =	vst.idx.add.f32.msk $0xffff, v1;
	v1 =	vmul.f32 v15, v10  }
.LBB2_4:
0x5b: {  	v3 =	vld [tilespmem:s26+$0x70];
	s25 =	sadd.s32 $0x8, s25  }
0x5c: {  	v4 =	vld [tilespmem:s26+$0x0];
	p0 =	slt.u32 s25, $0x3F8  }
0x5d: {  	v5 =	vld [tilespmem:s26+$0x10]  }
0x5e: {  	v6 =	vld [tilespmem:s26+$0x20]  }
0x5f: {  	v7 =	vld [tilespmem:s26+$0x30]  }
0x60: {  	v8 =	vld [tilespmem:s26+$0x40]  }
0x61: {  	v9 =	vld [tilespmem:s26+$0x50]  }
0x62: {  	v10 =	vld [tilespmem:s26+$0xFFFFFFF0]  }
0x63: {  	s24 =	sadd.s32 $0x80, s24;
	v3 =	vld.idx.msk [tilespmem:v3+s3+$0x0], $0xffff  }
0x64: {  	v11 =	vld [tilespmem:s24+$0x30]  }
0x65: {  	v12 =	vld [tilespmem:s26+$0x60]  }
0x66: {  	v4 =	vld.idx.msk [tilespmem:v4+s3+$0x0], $0xffff  }
0x67: {  	v5 =	vld.idx.msk [tilespmem:v5+s3+$0x0], $0xffff  }
0x68: {  	v6 =	vld.idx.msk [tilespmem:v6+s3+$0x0], $0xffff  }
0x69: {  	v7 =	vld.idx.msk [tilespmem:v7+s3+$0x0], $0xffff;
	v3 =	vmul.f32 v11, v3  }
0x6a: {  	v8 =	vld.idx.msk [tilespmem:v8+s3+$0x0], $0xffff  }
0x6b: {  	[tilespmem:v10+s19+$0x0] =	vst.idx.add.f32.msk $0xffff, v3  }
0x6c: {  	v3 =	vld.idx.msk [tilespmem:v9+s3+$0x0], $0xffff  }
0x6d: {  	v9 =	vld.idx.msk [tilespmem:v12+s3+$0x0], $0xffff  }
0x6e: {  	v10 =	vld [tilespmem:s24+$0xFFFFFFC0]  }
0x6f: {  	v11 =	vld [tilespmem:s24+$0xFFFFFFD0]  }
0x70: {  	v12 =	vld [tilespmem:s24+$0xFFFFFFE0]  }
0x71: {  	v13 =	vld [tilespmem:s24+$0xFFFFFFF0]  }
0x72: {  	v14 =	vld [tilespmem:s24+$0x0]  }
0x73: {  	v4 =	vmul.f32 v10, v4;
	v10 =	vld [tilespmem:s24+$0x10]  }
0x74: {  	v5 =	vmul.f32 v11, v5;
	v11 =	vld [tilespmem:s24+$0x20]  }
0x75: {  	v15 =	vld [tilespmem:s26+$0xFFFFFF90];
	v6 =	vmul.f32 v12, v6  }
0x76: {  	v12 =	vld [tilespmem:s26+$0xFFFFFFA0];
	v7 =	vmul.f32 v13, v7  }
0x77: {  	v13 =	vld [tilespmem:s26+$0xFFFFFFB0];
	v8 =	vmul.f32 v14, v8  }
0x78: {  	v14 =	vld [tilespmem:s26+$0xFFFFFFC0];
	v3 =	vmul.f32 v10, v3  }
0x79: {  	v10 =	vld [tilespmem:s26+$0xFFFFFFD0];
	v9 =	vmul.f32 v11, v9  }
0x7a: {  	v11 =	vld [tilespmem:s26+$0xFFFFFFE0]  }
0x7b: {  	v16 =	vld [tilespmem:s26+$0xFFFFFF80]  }
0x7c: {  	[tilespmem:v2+s19+$0x0] =	vst.idx.add.f32.msk $0xffff, v1;
	v1 =	vmov v4  }
0x7d: {  	[tilespmem:v15+s19+$0x0] =	vst.idx.add.f32.msk $0xffff, v5  }
.Ltmp1:
0x7e: {  	[tilespmem:v12+s19+$0x0] =	vst.idx.add.f32.msk $0xffff, v6;
	(pc) =	sbr.rel @p0 .LBB2_4-.Ltmp1, $4  }
0x7f: {  	[tilespmem:v13+s19+$0x0] =	vst.idx.add.f32.msk $0xffff, v7  }
0x80: {  	[tilespmem:v14+s19+$0x0] =	vst.idx.add.f32.msk $0xffff, v8;
	v2 =	vmov v16  }
0x81: {  	[tilespmem:v10+s19+$0x0] =	vst.idx.add.f32.msk $0xffff, v3  }
0x82: {  	s26 =	sadd.s32 $0x100, s26;
	[tilespmem:v11+s19+$0x0] =	vst.idx.add.f32.msk $0xffff, v9  }
0x83: {  	_ =	sdelay $0x3  }
0x84: {  	[tilespmem:v2+s19+$0x0] =	vst.idx.add.f32.msk $0xffff, v1  }
0x85: {  	[hbm4b:s7+s12] =	stream.strided.scatter [tilespmem:s19], [sflag:$0x5], $0x4000, s13, s12, $0x38;
	[tilespmem:$0x18000] =	vst v63  }
0x86: {  	_ = 	snop  }
0x87: {  	[tilespmem:s14], [sflag:$0x4] =	stream.linear.gather [hbm4b:s8+s3], $0x8000, $0x38;
	[tilespmem:$0x18000] =	vst v63  }
0x88: {  	_ =	swait.ge [sflag:s20], $0x4000  }
0x89: {  	[sflag:s20] =	ssyncset.done $0x0  }
0x8a: {  	s24 =	simm.s32 $0x40;
	[sflag:s20] =	ssyncadd.s32 $0xFFFFC000  }
0x8b: {  	[tilespmem:s24+$0xFFFFFFC0] =	vst v0  }
0x8c: {  	[tilespmem:s24+$0x30] =	vst v0  }
0x8d: {  	[tilespmem:s24+$0x20] =	vst v0  }
0x8e: {  	[tilespmem:s24+$0x10] =	vst v0  }
0x8f: {  	[tilespmem:s24+$0x0] =	vst v0  }
0x90: {  	[tilespmem:s24+$0xFFFFFFF0] =	vst v0  }
0x91: {  	s25 =	simm.s32 $0x0;
	[tilespmem:s24+$0xFFFFFFE0] =	vst v0  }
.LBB2_6:
0x92: {  	s25 =	sadd.s32 $0x8, s25;
	[tilespmem:s24+$0xFFFFFFD0] =	vst v0;
	s24 =	sadd.s32 $0x80, s24  }
0x93: {  	[tilespmem:s24+$0xFFFFFFC0] =	vst v0;
	p0 =	slt.u32 s25, $0x3F8  }
0x94: {  	[tilespmem:s24+$0x30] =	vst v0  }
.Ltmp2:
0x95: {  	[tilespmem:s24+$0x20] =	vst v0;
	(pc) =	sbr.rel @p0 .LBB2_6-.Ltmp2, $4  }
0x96: {  	[tilespmem:s24+$0x10] =	vst v0  }
0x97: {  	[tilespmem:s24+$0x0] =	vst v0  }
0x98: {  	[tilespmem:s24+$0xFFFFFFF0] =	vst v0  }
0x99: {  	[tilespmem:s24+$0xFFFFFFE0] =	vst v0  }
0x9a: {  	[tilespmem:s24+$0xFFFFFFD0] =	vst v0  }
0x9b: {  	_ =	swait.ge [sflag:s18], $0x8000  }
0x9c: {  	[sflag:s18] =	ssyncset.done $0x0  }
0x9d: {  	s25 =	simm.s32 $0x8080;
	[sflag:s18] =	ssyncadd.s32 $0xFFFF8000  }
0x9e: {  	v1 =	vld [tilespmem:s25+$0x70]  }
0x9f: {  	v2 =	vld [tilespmem:s25+$0x10]  }
0xa0: {  	v3 =	vld [tilespmem:s25+$0x20]  }
0xa1: {  	v4 =	vld [tilespmem:s25+$0x30]  }
0xa2: {  	v5 =	vld [tilespmem:s25+$0x40]  }
0xa3: {  	v6 =	vld [tilespmem:s25+$0x50]  }
0xa4: {  	s24 =	simm.s32 $0x14040;
	v7 =	vld [tilespmem:s25+$0xFFFFFFF0]  }
0xa5: {  	v8 =	vld [tilespmem:s24+$0x30]  }
0xa6: {  	v9 =	vld [tilespmem:s25+$0x60]  }
0xa7: {  	v10 =	vld [tilespmem:s25+$0x0]  }
0xa8: {  	v56 =	vld [tilespmem:s25+$0xFFFFFF90]  }
0xa9: {  	v57 =	vld [tilespmem:s24+$0xFFFFFFD0]  }
0xaa: {  	v58 =	vld [tilespmem:s24+$0xFFFFFFE0]  }
0xab: {  	v11 =	vld [tilespmem:s24+$0xFFFFFFF0]  }
0xac: {  	v12 =	vld [tilespmem:s25+$0xFFFFFFA0]  }
0xad: {  	v13 =	vld [tilespmem:s24+$0x0]  }
0xae: {  	v14 =	vld [tilespmem:s24+$0x10]  }
0xaf: {  	v59 =	vld [tilespmem:s25+$0xFFFFFFB0]  }
0xb0: {  	v60 =	vld [tilespmem:s25+$0xFFFFFFC0]  }
0xb1: {  	v61 =	vld [tilespmem:s25+$0xFFFFFFE0]  }
0xb2: {  	v62 =	vld [tilespmem:s24+$0x20]  }
0xb3: {  	v1 =	vld.idx.msk [tilespmem:v1+s15+$0x0], $0xffff  }
0xb4: {  	v2 =	vld.idx.msk [tilespmem:v2+s15+$0x0], $0xffff  }
0xb5: {  	v15 =	vld [tilespmem:s24+$0xFFFFFFC0]  }
0xb6: {  	v3 =	vld.idx.msk [tilespmem:v3+s15+$0x0], $0xffff  }
0xb7: {  	v4 =	vld.idx.msk [tilespmem:v4+s15+$0x0], $0xffff  }
0xb8: {  	v5 =	vld.idx.msk [tilespmem:v5+s15+$0x0], $0xffff;
	v1 =	vmul.f32 v8, v1  }
0xb9: {  	v55 =	vld.idx.msk [tilespmem:v9+s15+$0x0], $0xffff;
	v2 =	vmul.f32 v57, v2  }
0xba: {  	[tilespmem:v7+s3+$0x0] =	vst.idx.add.f32.msk $0xffff, v1  }
0xbb: {  	[tilespmem:v56+s3+$0x0] =	vst.idx.add.f32.msk $0xffff, v2  }
0xbc: {  	v2 =	vmul.f32 v58, v3;
	v3 =	vld [tilespmem:s25+$0xFFFFFFD0]  }
0xbd: {  	v4 =	vmul.f32 v11, v4;
	v1 =	vld.idx.msk [tilespmem:v6+s15+$0x0], $0xffff  }
0xbe: {  	v10 =	vld.idx.msk [tilespmem:v10+s15+$0x0], $0xffff;
	v5 =	vmul.f32 v13, v5  }
0xbf: {  	v63 =	vmul.f32 v62, v55;
	[tilespmem:v59+s3+$0x0] =	vst.idx.add.f32.msk $0xffff, v4  }
0xc0: {  	[tilespmem:v60+s3+$0x0] =	vst.idx.add.f32.msk $0xffff, v5  }
0xc1: {  	[tilespmem:v61+s3+$0x0] =	vst.idx.add.f32.msk $0xffff, v63  }
0xc2: {  	[tilespmem:v12+s3+$0x0] =	vst.idx.add.f32.msk $0xffff, v2;
	v1 =	vmul.f32 v14, v1  }
0xc3: {  	v2 =	vld [tilespmem:s25+$0xFFFFFF80]  }
0xc4: {  	s26 =	simm.s32 $0x8180;
	s25 =	simm.s32 $0x0;
	[tilespmem:v3+s3+$0x0] =	vst.idx.add.f32.msk $0xffff, v1;
	v1 =	vmul.f32 v15, v10  }
.LBB2_8:
0xc5: {  	v3 =	vld [tilespmem:s26+$0x70];
	s25 =	sadd.s32 $0x8, s25  }
0xc6: {  	v4 =	vld [tilespmem:s26+$0x0];
	p0 =	slt.u32 s25, $0x3F8  }
0xc7: {  	v5 =	vld [tilespmem:s26+$0x10]  }
0xc8: {  	v6 =	vld [tilespmem:s26+$0x20]  }
0xc9: {  	v7 =	vld [tilespmem:s26+$0x30]  }
0xca: {  	v8 =	vld [tilespmem:s26+$0x40]  }
0xcb: {  	v9 =	vld [tilespmem:s26+$0x50]  }
0xcc: {  	v10 =	vld [tilespmem:s26+$0xFFFFFFF0]  }
0xcd: {  	s24 =	sadd.s32 $0x80, s24;
	v3 =	vld.idx.msk [tilespmem:v3+s15+$0x0], $0xffff  }
0xce: {  	v11 =	vld [tilespmem:s24+$0x30]  }
0xcf: {  	v12 =	vld [tilespmem:s26+$0x60]  }
0xd0: {  	v4 =	vld.idx.msk [tilespmem:v4+s15+$0x0], $0xffff  }
0xd1: {  	v5 =	vld.idx.msk [tilespmem:v5+s15+$0x0], $0xffff  }
0xd2: {  	v6 =	vld.idx.msk [tilespmem:v6+s15+$0x0], $0xffff  }
0xd3: {  	v7 =	vld.idx.msk [tilespmem:v7+s15+$0x0], $0xffff;
	v3 =	vmul.f32 v11, v3  }
0xd4: {  	v8 =	vld.idx.msk [tilespmem:v8+s15+$0x0], $0xffff  }
0xd5: {  	[tilespmem:v10+s3+$0x0] =	vst.idx.add.f32.msk $0xffff, v3  }
0xd6: {  	v3 =	vld.idx.msk [tilespmem:v9+s15+$0x0], $0xffff  }
0xd7: {  	v9 =	vld.idx.msk [tilespmem:v12+s15+$0x0], $0xffff  }
0xd8: {  	v10 =	vld [tilespmem:s24+$0xFFFFFFC0]  }
0xd9: {  	v11 =	vld [tilespmem:s24+$0xFFFFFFD0]  }
0xda: {  	v12 =	vld [tilespmem:s24+$0xFFFFFFE0]  }
0xdb: {  	v13 =	vld [tilespmem:s24+$0xFFFFFFF0]  }
0xdc: {  	v14 =	vld [tilespmem:s24+$0x0]  }
0xdd: {  	v4 =	vmul.f32 v10, v4;
	v10 =	vld [tilespmem:s24+$0x10]  }
0xde: {  	v5 =	vmul.f32 v11, v5;
	v11 =	vld [tilespmem:s24+$0x20]  }
0xdf: {  	v15 =	vld [tilespmem:s26+$0xFFFFFF90];
	v6 =	vmul.f32 v12, v6  }
0xe0: {  	v12 =	vld [tilespmem:s26+$0xFFFFFFA0];
	v7 =	vmul.f32 v13, v7  }
0xe1: {  	v13 =	vld [tilespmem:s26+$0xFFFFFFB0];
	v8 =	vmul.f32 v14, v8  }
0xe2: {  	v14 =	vld [tilespmem:s26+$0xFFFFFFC0];
	v3 =	vmul.f32 v10, v3  }
0xe3: {  	v10 =	vld [tilespmem:s26+$0xFFFFFFD0];
	v9 =	vmul.f32 v11, v9  }
0xe4: {  	v11 =	vld [tilespmem:s26+$0xFFFFFFE0]  }
0xe5: {  	v16 =	vld [tilespmem:s26+$0xFFFFFF80]  }
0xe6: {  	[tilespmem:v2+s3+$0x0] =	vst.idx.add.f32.msk $0xffff, v1;
	v1 =	vmov v4  }
0xe7: {  	[tilespmem:v15+s3+$0x0] =	vst.idx.add.f32.msk $0xffff, v5  }
.Ltmp3:
0xe8: {  	[tilespmem:v12+s3+$0x0] =	vst.idx.add.f32.msk $0xffff, v6;
	(pc) =	sbr.rel @p0 .LBB2_8-.Ltmp3, $4  }
0xe9: {  	[tilespmem:v13+s3+$0x0] =	vst.idx.add.f32.msk $0xffff, v7  }
0xea: {  	[tilespmem:v14+s3+$0x0] =	vst.idx.add.f32.msk $0xffff, v8;
	v2 =	vmov v16  }
0xeb: {  	[tilespmem:v10+s3+$0x0] =	vst.idx.add.f32.msk $0xffff, v3  }
0xec: {  	s26 =	sadd.s32 $0x100, s26;
	[tilespmem:v11+s3+$0x0] =	vst.idx.add.f32.msk $0xffff, v9  }
0xed: {  	_ =	sdelay $0x3  }
0xee: {  	[tilespmem:v2+s3+$0x0] =	vst.idx.add.f32.msk $0xffff, v1  }
0xef: {  	s23 =	sadd.s32 $0x1, s23;
	_ =	swait.ge [sflag:s21], $0x4000  }
0xf0: {  	p0 =	sne.s32 s23, s10;
	[sflag:s21] =	ssyncset.done $0x0  }
.Ltmp4:
0xf1: {  	[sflag:s21] =	ssyncadd.s32 $0xFFFFC000;
	(pc) =	sbr.rel @p0 .LBB2_1-.Ltmp4, $4  }
0xf2: {  	[hbm4b:s9+s12] =	stream.strided.scatter [tilespmem:s3], [sflag:$0x6], $0x4000, s13, s12, $0x38;
	[tilespmem:$0x18000] =	vst v63  }
0xf3: {  	_ =	swait.ge [sflag:s22], $0x4000  }
0xf4: {  	[sflag:s22] =	ssyncset.done $0x0  }
0xf5: {  	[sflag:s22] =	ssyncadd.s32 $0xFFFFC000  }
0xf6: {  	_ =	sfence.sel $0x180000  }
0xf7: {  	[bflag:$0x0] =	sbarrier.arrive $0xFFFF  }
0xf8: {  	p0 =	sne.s32 s2, $0x0;
	_ =	strace $0x90000047  }
0xf9: {  	s0 =	sadd.s32 @!p0 $0x100000, s0;
	[bflag:$0x2] =	sbarrier.arrive $0xFFFF  }
0xfa: {  	[sflag:s0] =	ssyncadd.tile.s32 @!p0 $0x1;
	_ =	shalt  }
.Lfunc_end2:
_tile_overlayer_lowered:
.L_overlay_start_2:
0xfb: {  	(tag) =	ssettag $0x2  }
0xfc: {  	s0 =	rddreg [dreg:$0x0];
	s2 =	stileid.u32  }
0xfd: {  	s1 =	rddreg [dreg:$0x1];
	p0 =	sne.s32 s2, $0x0  }
0xfe: {  	s3 =	rddreg [dreg:$0x2];
	[bflag:$0x3] =	sbarrier.arrive $0xFFFF;
	s2 =	simm.s32 @!p0 $0x1C06  }
0xff: {  	[timem:s3], [sflag:s2] =	dma.local @!p0 [hbm:s0], s1  }
0x100: {  	s0 =	simm.s32 @!p0 $0x6  }
0x101: {  	_ =	swait.ge @!p0 [sflag:s0], s1  }
0x102: {  	s1 =	ssub.s32 @!p0 $0x0, s1;
	[sflag:s0] =	ssyncset.done @!p0 $0x0  }
0x103: {  	[sflag:s0] =	ssyncadd.s32 @!p0 s1  }
0x104: {  	[bflag:$0x3] =	sbarrier.arrive $0xFFFF  }
0x105: {  	_ =	shalt  }

</sc_bundles>
